<compile_context>
chip_gen: v7x
topology: tpu7x:2x2x1
jax: 0.10.2.dev20260603
libtpu: 0.0.44.dev20260713+nightly
codegen_flags: <defaults>
</compile_context>

<pallas_src>
import functools

import jax
import jax.numpy as jnp
from jax import lax
from jax.experimental import pallas as pl
from jax.experimental.pallas import tpu as pltpu
from jax.experimental.pallas import tpu_sc as plsc


def _sc_gather_t(table_t, idx, V, D, B):
    info = plsc.get_sparse_core_info()
    NS = info.num_subcores
    w_per_d = max(1, NS // D)
    chunk = B // w_per_d
    mesh = plsc.VectorSubcoreMesh(
        core_axis_name="c", subcore_axis_name="s", num_cores=1
    )

    @functools.partial(
        pl.kernel,
        mesh=mesh,
        compiler_params=pltpu.CompilerParams(use_tc_tiling_on_sc=False),
        out_type=jax.ShapeDtypeStruct((D, B), jnp.float32),
        scratch_types=[
            pltpu.VMEM((chunk,), jnp.int32),
            pltpu.VMEM((chunk,), jnp.float32),
            pltpu.SemaphoreType.DMA,
        ],
    )
    def gather_kernel(table_hbm, idx_hbm, out_hbm, idx_v, dst_v, sem):
        wid = lax.axis_index("s")
        d = wid // w_per_d
        base = (wid % w_per_d) * chunk
        pltpu.sync_copy(idx_hbm.at[pl.ds(base, chunk)], idx_v)
        copies = [
            pltpu.async_copy(
                table_hbm.at[d].at[idx_v.at[pl.ds(k * 128, 128)]],
                dst_v.at[pl.ds(k * 128, 128)],
                sem,
            )
            for k in range(chunk // 128)
        ]
        for cp in copies:
            cp.wait()
        pltpu.sync_copy(dst_v, out_hbm.at[d, pl.ds(base, chunk)])

    return gather_kernel(table_t, idx)


def _tc_project(eT, lin_w, lin_b, block_v):
    D, B = eT.shape
    V = lin_w.shape[0]
    nv = pl.cdiv(V, block_v)
    wT = lin_w.T
    lin_b2 = lin_b.reshape(1, V)

    def body(w_ref, b_ref, e_ref, o_ref):
        wa = jnp.concatenate([w_ref[...], b_ref[...]], axis=0)
        ea = jnp.concatenate([e_ref[...], jnp.ones((1, B), jnp.float32)], axis=0)
        o_ref[...] = lax.dot_general(
            wa,
            ea,
            dimension_numbers=(((0,), (0,)), ((), ())),
            preferred_element_type=jnp.float32,
        )

    outT = pl.pallas_call(
        body,
        grid=(nv,),
        in_specs=[
            pl.BlockSpec((D, block_v), lambda j: (0, j)),
            pl.BlockSpec((1, block_v), lambda j: (0, j)),
            pl.BlockSpec((D, B), lambda j: (0, 0)),
        ],
        out_specs=pl.BlockSpec((block_v, B), lambda j: (j, 0)),
        out_shape=jax.ShapeDtypeStruct((V, B), jnp.float32),
    )(wT, lin_b2, eT)
    return outT.T


def kernel(inputs, emb_table, lin_w, lin_b):
    idx = inputs.astype(jnp.int32)
    V, D = emb_table.shape
    (B,) = idx.shape
    eT = _sc_gather_t(emb_table.T, idx, V, D, B)
    return _tc_project(eT, lin_w, lin_b, block_v=2560)

# --- scband reference (transcript-rebuilt; emitter-appended) ---
"""Pipeline reference for scband-sgmodel-1194000908951 (READ-ONLY COPY).

The authoritative reference and input builder live on the scoring server;
editing this copy changes nothing except your own understanding.
"""

import jax, jax.numpy as jnp
import numpy as np

VOCAB = 100000
EMBED_DIM = 16
BATCH = 1024

def setup_inputs(seed: int = 0) -> dict:
    key = jax.random.key(seed)
    k1, k2, k3, k4 = jax.random.split(key, 4)
    inputs = jax.random.randint(k1, (BATCH,), 0, VOCAB, dtype=jnp.int64) if jax.config.jax_enable_x64 else jax.random.randint(k1, (BATCH,), 0, VOCAB, dtype=jnp.int32)
    emb_table = jax.random.normal(k2, (VOCAB, EMBED_DIM), dtype=jnp.float32)
    # nn.Linear(embedding_dim, vocab_size): weight [vocab, embed_dim], bias [vocab]
    lin_w = jax.random.normal(k3, (VOCAB, EMBED_DIM), dtype=jnp.float32) * (1.0 / np.sqrt(EMBED_DIM))
    lin_b = jax.random.normal(k4, (VOCAB,), dtype=jnp.float32) * 0.01
    return {"inputs": inputs, "emb_table": emb_table, "lin_w": lin_w, "lin_b": lin_b}

def reference(inputs, emb_table, lin_w, lin_b):
    # embeds = self.embeddings(inputs)  -> gather rows of embedding table
    embeds = jnp.take(emb_table, inputs, axis=0)  # [B, D]
    # output = self.linear(embeds)  -> embeds @ W.T + b
    output = jnp.dot(embeds, lin_w.T) + lin_b  # [B, vocab]
    return output

if __name__ == "__main__":
    import jax
    _d = setup_inputs()
    print(jax.jit(kernel)(*tuple(_d.values())))

</pallas_src>

<mosaic_0001>
#map = affine_map<(d0, d1) -> (0, 0)>
#map1 = affine_map<(d0, d1) -> (0)>
module attributes {stable_mosaic.version = 14 : i64} {
  func.func @gather_kernel(%arg0: i32, %arg1: i32, %arg2: memref<16x100000xf32, #tpu.memory_space<hbm>>, %arg3: memref<1024xi32, #tpu.memory_space<hbm>>, %arg4: memref<16x1024xf32, #tpu.memory_space<hbm>>, %arg5: memref<1024xi32, #tpu.memory_space<vmem>>, %arg6: memref<1024xf32, #tpu.memory_space<vmem>>, %arg7: memref<!tpu.dma_semaphore, #tpu.memory_space<semaphore_mem>>) attributes {dimension_semantics = [#tpu.dimension_semantics<core_parallel>, #tpu.dimension_semantics<subcore_parallel>], iteration_bounds = array<i64: 1, 16>, scalar_prefetch = 0 : i64, scratch_operands = 3 : i64, tpu.core_type = #tpu.core_type<sc_vector_subcore>, window_params = [{transform_indices = #map}, {transform_indices = #map1}, {transform_indices = #map}]} {
    %jit3A = arith.constant 1 : i32
    %div3A = arith.divsi %arg1, %jit3A : i32
    %sign3A = arith.constant 0 : i32
    %sign3A_0 = arith.cmpi sgt, %arg1, %sign3A : i32
    %sign3A_1 = arith.extui %sign3A_0 : i1 to i32
    %sign3A_2 = arith.constant 0 : i32
    %sign3A_3 = arith.cmpi slt, %arg1, %sign3A_2 : i32
    %sign3A_4 = arith.extui %sign3A_3 : i1 to i32
    %sign3A_5 = arith.subi %sign3A_1, %sign3A_4 : i32
    %sign3A_6 = arith.constant 0 : i32
    %sign3A_7 = arith.cmpi sgt, %jit3A, %sign3A_6 : i32
    %sign3A_8 = arith.extui %sign3A_7 : i1 to i32
    %sign3A_9 = arith.constant 0 : i32
    %sign3A_10 = arith.cmpi slt, %jit3A, %sign3A_9 : i32
    %sign3A_11 = arith.extui %sign3A_10 : i1 to i32
    %sign3A_12 = arith.subi %sign3A_8, %sign3A_11 : i32
    %ne3A = arith.cmpi ne, %sign3A_5, %sign3A_12 : i32
    %rem3A = arith.remsi %arg1, %jit3A : i32
    %ne3A_13 = arith.constant 0 : i32
    %ne3A_14 = arith.cmpi ne, %rem3A, %ne3A_13 : i32
    %and3A = arith.andi %ne3A, %ne3A_14 : i1
    %sub3A = arith.constant 1 : i32
    %sub3A_15 = arith.subi %div3A, %sub3A : i32
    %select_n3A = arith.select %and3A, %sub3A_15, %div3A : i32
    %jit3A_16 = arith.constant 1 : i32
    %eq3A = arith.constant 0 : i32
    %eq3A_17 = arith.cmpi eq, %jit3A_16, %eq3A : i32
    %jit3A_18 = arith.constant 1 : i32
    %select_n3A_19 = arith.select %eq3A_17, %jit3A_18, %jit3A_16 : i32
    %rem3A_20 = arith.remsi %arg1, %select_n3A_19 : i32
    %ne3A_21 = arith.constant 0 : i32
    %ne3A_22 = arith.cmpi ne, %rem3A_20, %ne3A_21 : i32
    %lt3A = arith.constant 0 : i32
    %lt3A_23 = arith.cmpi slt, %rem3A_20, %lt3A : i32
    %lt3A_24 = arith.constant 0 : i32
    %lt3A_25 = arith.cmpi slt, %select_n3A_19, %lt3A_24 : i32
    %ne3A_26 = arith.xori %lt3A_23, %lt3A_25 : i1
    %and3A_27 = arith.andi %ne3A_26, %ne3A_22 : i1
    %add3A = arith.addi %rem3A_20, %select_n3A_19 : i32
    %select_n3A_28 = arith.select %and3A_27, %add3A, %rem3A_20 : i32
    %mul3A = arith.constant 1024 : i32
    %mul3A_29 = arith.muli %select_n3A_28, %mul3A : i32
    "tpu.region"() ({
      %run_scoped3A = tpu.sem_alloc : memref<!tpu.dma_semaphore, #tpu.memory_space<semaphore_mem>>
      %dma_start3A_172 = tpu.memref_slice %arg3[%mul3A_29] : memref<1024xi32, #tpu.memory_space<hbm>> -> memref<1024xi32, #tpu.memory_space<hbm>>
      %dma_start3A_173 = tpu.memref_slice %arg3[%mul3A_29] : memref<1024xi32, #tpu.memory_space<hbm>> -> memref<1024xi32, #tpu.memory_space<hbm>>
      tpu.enqueue_dma source(%dma_start3A_173 : memref<1024xi32, #tpu.memory_space<hbm>>) target(%arg5 : memref<1024xi32, #tpu.memory_space<vmem>>) target_semaphore(%run_scoped3A : memref<!tpu.dma_semaphore, #tpu.memory_space<semaphore_mem>>)
      %dma_wait3A_174 = tpu.memref_slice %arg3[%mul3A_29] : memref<1024xi32, #tpu.memory_space<hbm>> -> memref<1024xi32, #tpu.memory_space<hbm>>
      %dma_wait3A_175 = tpu.memref_slice %arg3[%mul3A_29] : memref<1024xi32, #tpu.memory_space<hbm>> -> memref<1024xi32, #tpu.memory_space<hbm>>
      tpu.wait_dma2 semaphore(%run_scoped3A : memref<!tpu.dma_semaphore, #tpu.memory_space<semaphore_mem>>) src(%dma_wait3A_175 : memref<1024xi32, #tpu.memory_space<hbm>>) dst(%arg5 : memref<1024xi32, #tpu.memory_space<vmem>>)
      tpu.yield
    }) : () -> ()
    %dma_start3A = arith.constant 0 : i32
    %dma_start3A_30 = tpu.memref_slice %arg6[%dma_start3A] : memref<1024xf32, #tpu.memory_space<vmem>> -> memref<128xf32, #tpu.memory_space<vmem>>
    %dma_start3A_31 = arith.constant 0 : i32
    %dma_start3A_32 = tpu.memref_slice %arg5[%dma_start3A_31] : memref<1024xi32, #tpu.memory_space<vmem>> -> memref<128xi32, #tpu.memory_space<vmem>>
    %dma_start3A_33 = arith.constant 0 : i32
    %dma_start3A_34 = tpu.memref_slice %arg2[%select_n3A, %dma_start3A_33] : memref<16x100000xf32, #tpu.memory_space<hbm>> -> memref<1x100000xf32, #tpu.memory_space<hbm>>
    %dma_start3A_35 = tpu.memref_squeeze %dma_start3A_34 : memref<1x100000xf32, #tpu.memory_space<hbm>> -> memref<100000xf32, #tpu.memory_space<hbm>>
    %dma_start3A_36 = arith.constant 0 : i32
    %dma_start3A_37 = tpu.memref_slice %dma_start3A_35[%dma_start3A_36] : memref<100000xf32, #tpu.memory_space<hbm>> -> memref<100000xf32, #tpu.memory_space<hbm>>
    tpu.enqueue_indirect_dma source(%dma_start3A_37 : memref<100000xf32, #tpu.memory_space<hbm>>) target(%dma_start3A_30 : memref<128xf32, #tpu.memory_space<vmem>>) offsets(%dma_start3A_32 : memref<128xi32, #tpu.memory_space<vmem>>) semaphore(%arg7 : memref<!tpu.dma_semaphore, #tpu.memory_space<semaphore_mem>>)
    %dma_start3A_38 = arith.constant 128 : i32
    %dma_start3A_39 = tpu.memref_slice %arg6[%dma_start3A_38] : memref<1024xf32, #tpu.memory_space<vmem>> -> memref<128xf32, #tpu.memory_space<vmem>>
    %dma_start3A_40 = arith.constant 128 : i32
    %dma_start3A_41 = tpu.memref_slice %arg5[%dma_start3A_40] : memref<1024xi32, #tpu.memory_space<vmem>> -> memref<128xi32, #tpu.memory_space<vmem>>
    %dma_start3A_42 = arith.constant 0 : i32
    %dma_start3A_43 = tpu.memref_slice %arg2[%select_n3A, %dma_start3A_42] : memref<16x100000xf32, #tpu.memory_space<hbm>> -> memref<1x100000xf32, #tpu.memory_space<hbm>>
    %dma_start3A_44 = tpu.memref_squeeze %dma_start3A_43 : memref<1x100000xf32, #tpu.memory_space<hbm>> -> memref<100000xf32, #tpu.memory_space<hbm>>
    %dma_start3A_45 = arith.constant 0 : i32
    %dma_start3A_46 = tpu.memref_slice %dma_start3A_44[%dma_start3A_45] : memref<100000xf32, #tpu.memory_space<hbm>> -> memref<100000xf32, #tpu.memory_space<hbm>>
    tpu.enqueue_indirect_dma source(%dma_start3A_46 : memref<100000xf32, #tpu.memory_space<hbm>>) target(%dma_start3A_39 : memref<128xf32, #tpu.memory_space<vmem>>) offsets(%dma_start3A_41 : memref<128xi32, #tpu.memory_space<vmem>>) semaphore(%arg7 : memref<!tpu.dma_semaphore, #tpu.memory_space<semaphore_mem>>)
    %dma_start3A_47 = arith.constant 256 : i32
    %dma_start3A_48 = tpu.memref_slice %arg6[%dma_start3A_47] : memref<1024xf32, #tpu.memory_space<vmem>> -> memref<128xf32, #tpu.memory_space<vmem>>
    %dma_start3A_49 = arith.constant 256 : i32
    %dma_start3A_50 = tpu.memref_slice %arg5[%dma_start3A_49] : memref<1024xi32, #tpu.memory_space<vmem>> -> memref<128xi32, #tpu.memory_space<vmem>>
    %dma_start3A_51 = arith.constant 0 : i32
    %dma_start3A_52 = tpu.memref_slice %arg2[%select_n3A, %dma_start3A_51] : memref<16x100000xf32, #tpu.memory_space<hbm>> -> memref<1x100000xf32, #tpu.memory_space<hbm>>
    %dma_start3A_53 = tpu.memref_squeeze %dma_start3A_52 : memref<1x100000xf32, #tpu.memory_space<hbm>> -> memref<100000xf32, #tpu.memory_space<hbm>>
    %dma_start3A_54 = arith.constant 0 : i32
    %dma_start3A_55 = tpu.memref_slice %dma_start3A_53[%dma_start3A_54] : memref<100000xf32, #tpu.memory_space<hbm>> -> memref<100000xf32, #tpu.memory_space<hbm>>
    tpu.enqueue_indirect_dma source(%dma_start3A_55 : memref<100000xf32, #tpu.memory_space<hbm>>) target(%dma_start3A_48 : memref<128xf32, #tpu.memory_space<vmem>>) offsets(%dma_start3A_50 : memref<128xi32, #tpu.memory_space<vmem>>) semaphore(%arg7 : memref<!tpu.dma_semaphore, #tpu.memory_space<semaphore_mem>>)
    %dma_start3A_56 = arith.constant 384 : i32
    %dma_start3A_57 = tpu.memref_slice %arg6[%dma_start3A_56] : memref<1024xf32, #tpu.memory_space<vmem>> -> memref<128xf32, #tpu.memory_space<vmem>>
    %dma_start3A_58 = arith.constant 384 : i32
    %dma_start3A_59 = tpu.memref_slice %arg5[%dma_start3A_58] : memref<1024xi32, #tpu.memory_space<vmem>> -> memref<128xi32, #tpu.memory_space<vmem>>
    %dma_start3A_60 = arith.constant 0 : i32
    %dma_start3A_61 = tpu.memref_slice %arg2[%select_n3A, %dma_start3A_60] : memref<16x100000xf32, #tpu.memory_space<hbm>> -> memref<1x100000xf32, #tpu.memory_space<hbm>>
    %dma_start3A_62 = tpu.memref_squeeze %dma_start3A_61 : memref<1x100000xf32, #tpu.memory_space<hbm>> -> memref<100000xf32, #tpu.memory_space<hbm>>
    %dma_start3A_63 = arith.constant 0 : i32
    %dma_start3A_64 = tpu.memref_slice %dma_start3A_62[%dma_start3A_63] : memref<100000xf32, #tpu.memory_space<hbm>> -> memref<100000xf32, #tpu.memory_space<hbm>>
    tpu.enqueue_indirect_dma source(%dma_start3A_64 : memref<100000xf32, #tpu.memory_space<hbm>>) target(%dma_start3A_57 : memref<128xf32, #tpu.memory_space<vmem>>) offsets(%dma_start3A_59 : memref<128xi32, #tpu.memory_space<vmem>>) semaphore(%arg7 : memref<!tpu.dma_semaphore, #tpu.memory_space<semaphore_mem>>)
    %dma_start3A_65 = arith.constant 512 : i32
    %dma_start3A_66 = tpu.memref_slice %arg6[%dma_start3A_65] : memref<1024xf32, #tpu.memory_space<vmem>> -> memref<128xf32, #tpu.memory_space<vmem>>
    %dma_start3A_67 = arith.constant 512 : i32
    %dma_start3A_68 = tpu.memref_slice %arg5[%dma_start3A_67] : memref<1024xi32, #tpu.memory_space<vmem>> -> memref<128xi32, #tpu.memory_space<vmem>>
    %dma_start3A_69 = arith.constant 0 : i32
    %dma_start3A_70 = tpu.memref_slice %arg2[%select_n3A, %dma_start3A_69] : memref<16x100000xf32, #tpu.memory_space<hbm>> -> memref<1x100000xf32, #tpu.memory_space<hbm>>
    %dma_start3A_71 = tpu.memref_squeeze %dma_start3A_70 : memref<1x100000xf32, #tpu.memory_space<hbm>> -> memref<100000xf32, #tpu.memory_space<hbm>>
    %dma_start3A_72 = arith.constant 0 : i32
    %dma_start3A_73 = tpu.memref_slice %dma_start3A_71[%dma_start3A_72] : memref<100000xf32, #tpu.memory_space<hbm>> -> memref<100000xf32, #tpu.memory_space<hbm>>
    tpu.enqueue_indirect_dma source(%dma_start3A_73 : memref<100000xf32, #tpu.memory_space<hbm>>) target(%dma_start3A_66 : memref<128xf32, #tpu.memory_space<vmem>>) offsets(%dma_start3A_68 : memref<128xi32, #tpu.memory_space<vmem>>) semaphore(%arg7 : memref<!tpu.dma_semaphore, #tpu.memory_space<semaphore_mem>>)
    %dma_start3A_74 = arith.constant 640 : i32
    %dma_start3A_75 = tpu.memref_slice %arg6[%dma_start3A_74] : memref<1024xf32, #tpu.memory_space<vmem>> -> memref<128xf32, #tpu.memory_space<vmem>>
    %dma_start3A_76 = arith.constant 640 : i32
    %dma_start3A_77 = tpu.memref_slice %arg5[%dma_start3A_76] : memref<1024xi32, #tpu.memory_space<vmem>> -> memref<128xi32, #tpu.memory_space<vmem>>
    %dma_start3A_78 = arith.constant 0 : i32
    %dma_start3A_79 = tpu.memref_slice %arg2[%select_n3A, %dma_start3A_78] : memref<16x100000xf32, #tpu.memory_space<hbm>> -> memref<1x100000xf32, #tpu.memory_space<hbm>>
    %dma_start3A_80 = tpu.memref_squeeze %dma_start3A_79 : memref<1x100000xf32, #tpu.memory_space<hbm>> -> memref<100000xf32, #tpu.memory_space<hbm>>
    %dma_start3A_81 = arith.constant 0 : i32
    %dma_start3A_82 = tpu.memref_slice %dma_start3A_80[%dma_start3A_81] : memref<100000xf32, #tpu.memory_space<hbm>> -> memref<100000xf32, #tpu.memory_space<hbm>>
    tpu.enqueue_indirect_dma source(%dma_start3A_82 : memref<100000xf32, #tpu.memory_space<hbm>>) target(%dma_start3A_75 : memref<128xf32, #tpu.memory_space<vmem>>) offsets(%dma_start3A_77 : memref<128xi32, #tpu.memory_space<vmem>>) semaphore(%arg7 : memref<!tpu.dma_semaphore, #tpu.memory_space<semaphore_mem>>)
    %dma_start3A_83 = arith.constant 768 : i32
    %dma_start3A_84 = tpu.memref_slice %arg6[%dma_start3A_83] : memref<1024xf32, #tpu.memory_space<vmem>> -> memref<128xf32, #tpu.memory_space<vmem>>
    %dma_start3A_85 = arith.constant 768 : i32
    %dma_start3A_86 = tpu.memref_slice %arg5[%dma_start3A_85] : memref<1024xi32, #tpu.memory_space<vmem>> -> memref<128xi32, #tpu.memory_space<vmem>>
    %dma_start3A_87 = arith.constant 0 : i32
    %dma_start3A_88 = tpu.memref_slice %arg2[%select_n3A, %dma_start3A_87] : memref<16x100000xf32, #tpu.memory_space<hbm>> -> memref<1x100000xf32, #tpu.memory_space<hbm>>
    %dma_start3A_89 = tpu.memref_squeeze %dma_start3A_88 : memref<1x100000xf32, #tpu.memory_space<hbm>> -> memref<100000xf32, #tpu.memory_space<hbm>>
    %dma_start3A_90 = arith.constant 0 : i32
    %dma_start3A_91 = tpu.memref_slice %dma_start3A_89[%dma_start3A_90] : memref<100000xf32, #tpu.memory_space<hbm>> -> memref<100000xf32, #tpu.memory_space<hbm>>
    tpu.enqueue_indirect_dma source(%dma_start3A_91 : memref<100000xf32, #tpu.memory_space<hbm>>) target(%dma_start3A_84 : memref<128xf32, #tpu.memory_space<vmem>>) offsets(%dma_start3A_86 : memref<128xi32, #tpu.memory_space<vmem>>) semaphore(%arg7 : memref<!tpu.dma_semaphore, #tpu.memory_space<semaphore_mem>>)
    %dma_start3A_92 = arith.constant 896 : i32
    %dma_start3A_93 = tpu.memref_slice %arg6[%dma_start3A_92] : memref<1024xf32, #tpu.memory_space<vmem>> -> memref<128xf32, #tpu.memory_space<vmem>>
    %dma_start3A_94 = arith.constant 896 : i32
    %dma_start3A_95 = tpu.memref_slice %arg5[%dma_start3A_94] : memref<1024xi32, #tpu.memory_space<vmem>> -> memref<128xi32, #tpu.memory_space<vmem>>
    %dma_start3A_96 = arith.constant 0 : i32
    %dma_start3A_97 = tpu.memref_slice %arg2[%select_n3A, %dma_start3A_96] : memref<16x100000xf32, #tpu.memory_space<hbm>> -> memref<1x100000xf32, #tpu.memory_space<hbm>>
    %dma_start3A_98 = tpu.memref_squeeze %dma_start3A_97 : memref<1x100000xf32, #tpu.memory_space<hbm>> -> memref<100000xf32, #tpu.memory_space<hbm>>
    %dma_start3A_99 = arith.constant 0 : i32
    %dma_start3A_100 = tpu.memref_slice %dma_start3A_98[%dma_start3A_99] : memref<100000xf32, #tpu.memory_space<hbm>> -> memref<100000xf32, #tpu.memory_space<hbm>>
    tpu.enqueue_indirect_dma source(%dma_start3A_100 : memref<100000xf32, #tpu.memory_space<hbm>>) target(%dma_start3A_93 : memref<128xf32, #tpu.memory_space<vmem>>) offsets(%dma_start3A_95 : memref<128xi32, #tpu.memory_space<vmem>>) semaphore(%arg7 : memref<!tpu.dma_semaphore, #tpu.memory_space<semaphore_mem>>)
    %dma_wait3A = arith.constant 0 : i32
    %dma_wait3A_101 = tpu.memref_slice %arg6[%dma_wait3A] : memref<1024xf32, #tpu.memory_space<vmem>> -> memref<128xf32, #tpu.memory_space<vmem>>
    %dma_wait3A_102 = arith.constant 0 : i32
    %dma_wait3A_103 = tpu.memref_slice %arg5[%dma_wait3A_102] : memref<1024xi32, #tpu.memory_space<vmem>> -> memref<128xi32, #tpu.memory_space<vmem>>
    %dma_wait3A_104 = arith.constant 0 : i32
    %dma_wait3A_105 = tpu.memref_slice %arg2[%select_n3A, %dma_wait3A_104] : memref<16x100000xf32, #tpu.memory_space<hbm>> -> memref<1x100000xf32, #tpu.memory_space<hbm>>
    %dma_wait3A_106 = tpu.memref_squeeze %dma_wait3A_105 : memref<1x100000xf32, #tpu.memory_space<hbm>> -> memref<100000xf32, #tpu.memory_space<hbm>>
    %dma_wait3A_107 = arith.constant 0 : i32
    %dma_wait3A_108 = tpu.memref_slice %dma_wait3A_106[%dma_wait3A_107] : memref<100000xf32, #tpu.memory_space<hbm>> -> memref<100000xf32, #tpu.memory_space<hbm>>
    tpu.wait_indirect_dma semaphore(%arg7 : memref<!tpu.dma_semaphore, #tpu.memory_space<semaphore_mem>>) src(%dma_wait3A_108 : memref<100000xf32, #tpu.memory_space<hbm>>) dst(%dma_wait3A_101 : memref<128xf32, #tpu.memory_space<vmem>>)
    %dma_wait3A_109 = arith.constant 128 : i32
    %dma_wait3A_110 = tpu.memref_slice %arg6[%dma_wait3A_109] : memref<1024xf32, #tpu.memory_space<vmem>> -> memref<128xf32, #tpu.memory_space<vmem>>
    %dma_wait3A_111 = arith.constant 128 : i32
    %dma_wait3A_112 = tpu.memref_slice %arg5[%dma_wait3A_111] : memref<1024xi32, #tpu.memory_space<vmem>> -> memref<128xi32, #tpu.memory_space<vmem>>
    %dma_wait3A_113 = arith.constant 0 : i32
    %dma_wait3A_114 = tpu.memref_slice %arg2[%select_n3A, %dma_wait3A_113] : memref<16x100000xf32, #tpu.memory_space<hbm>> -> memref<1x100000xf32, #tpu.memory_space<hbm>>
    %dma_wait3A_115 = tpu.memref_squeeze %dma_wait3A_114 : memref<1x100000xf32, #tpu.memory_space<hbm>> -> memref<100000xf32, #tpu.memory_space<hbm>>
    %dma_wait3A_116 = arith.constant 0 : i32
    %dma_wait3A_117 = tpu.memref_slice %dma_wait3A_115[%dma_wait3A_116] : memref<100000xf32, #tpu.memory_space<hbm>> -> memref<100000xf32, #tpu.memory_space<hbm>>
    tpu.wait_indirect_dma semaphore(%arg7 : memref<!tpu.dma_semaphore, #tpu.memory_space<semaphore_mem>>) src(%dma_wait3A_117 : memref<100000xf32, #tpu.memory_space<hbm>>) dst(%dma_wait3A_110 : memref<128xf32, #tpu.memory_space<vmem>>)
    %dma_wait3A_118 = arith.constant 256 : i32
    %dma_wait3A_119 = tpu.memref_slice %arg6[%dma_wait3A_118] : memref<1024xf32, #tpu.memory_space<vmem>> -> memref<128xf32, #tpu.memory_space<vmem>>
    %dma_wait3A_120 = arith.constant 256 : i32
    %dma_wait3A_121 = tpu.memref_slice %arg5[%dma_wait3A_120] : memref<1024xi32, #tpu.memory_space<vmem>> -> memref<128xi32, #tpu.memory_space<vmem>>
    %dma_wait3A_122 = arith.constant 0 : i32
    %dma_wait3A_123 = tpu.memref_slice %arg2[%select_n3A, %dma_wait3A_122] : memref<16x100000xf32, #tpu.memory_space<hbm>> -> memref<1x100000xf32, #tpu.memory_space<hbm>>
    %dma_wait3A_124 = tpu.memref_squeeze %dma_wait3A_123 : memref<1x100000xf32, #tpu.memory_space<hbm>> -> memref<100000xf32, #tpu.memory_space<hbm>>
    %dma_wait3A_125 = arith.constant 0 : i32
    %dma_wait3A_126 = tpu.memref_slice %dma_wait3A_124[%dma_wait3A_125] : memref<100000xf32, #tpu.memory_space<hbm>> -> memref<100000xf32, #tpu.memory_space<hbm>>
    tpu.wait_indirect_dma semaphore(%arg7 : memref<!tpu.dma_semaphore, #tpu.memory_space<semaphore_mem>>) src(%dma_wait3A_126 : memref<100000xf32, #tpu.memory_space<hbm>>) dst(%dma_wait3A_119 : memref<128xf32, #tpu.memory_space<vmem>>)
    %dma_wait3A_127 = arith.constant 384 : i32
    %dma_wait3A_128 = tpu.memref_slice %arg6[%dma_wait3A_127] : memref<1024xf32, #tpu.memory_space<vmem>> -> memref<128xf32, #tpu.memory_space<vmem>>
    %dma_wait3A_129 = arith.constant 384 : i32
    %dma_wait3A_130 = tpu.memref_slice %arg5[%dma_wait3A_129] : memref<1024xi32, #tpu.memory_space<vmem>> -> memref<128xi32, #tpu.memory_space<vmem>>
    %dma_wait3A_131 = arith.constant 0 : i32
    %dma_wait3A_132 = tpu.memref_slice %arg2[%select_n3A, %dma_wait3A_131] : memref<16x100000xf32, #tpu.memory_space<hbm>> -> memref<1x100000xf32, #tpu.memory_space<hbm>>
    %dma_wait3A_133 = tpu.memref_squeeze %dma_wait3A_132 : memref<1x100000xf32, #tpu.memory_space<hbm>> -> memref<100000xf32, #tpu.memory_space<hbm>>
    %dma_wait3A_134 = arith.constant 0 : i32
    %dma_wait3A_135 = tpu.memref_slice %dma_wait3A_133[%dma_wait3A_134] : memref<100000xf32, #tpu.memory_space<hbm>> -> memref<100000xf32, #tpu.memory_space<hbm>>
    tpu.wait_indirect_dma semaphore(%arg7 : memref<!tpu.dma_semaphore, #tpu.memory_space<semaphore_mem>>) src(%dma_wait3A_135 : memref<100000xf32, #tpu.memory_space<hbm>>) dst(%dma_wait3A_128 : memref<128xf32, #tpu.memory_space<vmem>>)
    %dma_wait3A_136 = arith.constant 512 : i32
    %dma_wait3A_137 = tpu.memref_slice %arg6[%dma_wait3A_136] : memref<1024xf32, #tpu.memory_space<vmem>> -> memref<128xf32, #tpu.memory_space<vmem>>
    %dma_wait3A_138 = arith.constant 512 : i32
    %dma_wait3A_139 = tpu.memref_slice %arg5[%dma_wait3A_138] : memref<1024xi32, #tpu.memory_space<vmem>> -> memref<128xi32, #tpu.memory_space<vmem>>
    %dma_wait3A_140 = arith.constant 0 : i32
    %dma_wait3A_141 = tpu.memref_slice %arg2[%select_n3A, %dma_wait3A_140] : memref<16x100000xf32, #tpu.memory_space<hbm>> -> memref<1x100000xf32, #tpu.memory_space<hbm>>
    %dma_wait3A_142 = tpu.memref_squeeze %dma_wait3A_141 : memref<1x100000xf32, #tpu.memory_space<hbm>> -> memref<100000xf32, #tpu.memory_space<hbm>>
    %dma_wait3A_143 = arith.constant 0 : i32
    %dma_wait3A_144 = tpu.memref_slice %dma_wait3A_142[%dma_wait3A_143] : memref<100000xf32, #tpu.memory_space<hbm>> -> memref<100000xf32, #tpu.memory_space<hbm>>
    tpu.wait_indirect_dma semaphore(%arg7 : memref<!tpu.dma_semaphore, #tpu.memory_space<semaphore_mem>>) src(%dma_wait3A_144 : memref<100000xf32, #tpu.memory_space<hbm>>) dst(%dma_wait3A_137 : memref<128xf32, #tpu.memory_space<vmem>>)
    %dma_wait3A_145 = arith.constant 640 : i32
    %dma_wait3A_146 = tpu.memref_slice %arg6[%dma_wait3A_145] : memref<1024xf32, #tpu.memory_space<vmem>> -> memref<128xf32, #tpu.memory_space<vmem>>
    %dma_wait3A_147 = arith.constant 640 : i32
    %dma_wait3A_148 = tpu.memref_slice %arg5[%dma_wait3A_147] : memref<1024xi32, #tpu.memory_space<vmem>> -> memref<128xi32, #tpu.memory_space<vmem>>
    %dma_wait3A_149 = arith.constant 0 : i32
    %dma_wait3A_150 = tpu.memref_slice %arg2[%select_n3A, %dma_wait3A_149] : memref<16x100000xf32, #tpu.memory_space<hbm>> -> memref<1x100000xf32, #tpu.memory_space<hbm>>
    %dma_wait3A_151 = tpu.memref_squeeze %dma_wait3A_150 : memref<1x100000xf32, #tpu.memory_space<hbm>> -> memref<100000xf32, #tpu.memory_space<hbm>>
    %dma_wait3A_152 = arith.constant 0 : i32
    %dma_wait3A_153 = tpu.memref_slice %dma_wait3A_151[%dma_wait3A_152] : memref<100000xf32, #tpu.memory_space<hbm>> -> memref<100000xf32, #tpu.memory_space<hbm>>
    tpu.wait_indirect_dma semaphore(%arg7 : memref<!tpu.dma_semaphore, #tpu.memory_space<semaphore_mem>>) src(%dma_wait3A_153 : memref<100000xf32, #tpu.memory_space<hbm>>) dst(%dma_wait3A_146 : memref<128xf32, #tpu.memory_space<vmem>>)
    %dma_wait3A_154 = arith.constant 768 : i32
    %dma_wait3A_155 = tpu.memref_slice %arg6[%dma_wait3A_154] : memref<1024xf32, #tpu.memory_space<vmem>> -> memref<128xf32, #tpu.memory_space<vmem>>
    %dma_wait3A_156 = arith.constant 768 : i32
    %dma_wait3A_157 = tpu.memref_slice %arg5[%dma_wait3A_156] : memref<1024xi32, #tpu.memory_space<vmem>> -> memref<128xi32, #tpu.memory_space<vmem>>
    %dma_wait3A_158 = arith.constant 0 : i32
    %dma_wait3A_159 = tpu.memref_slice %arg2[%select_n3A, %dma_wait3A_158] : memref<16x100000xf32, #tpu.memory_space<hbm>> -> memref<1x100000xf32, #tpu.memory_space<hbm>>
    %dma_wait3A_160 = tpu.memref_squeeze %dma_wait3A_159 : memref<1x100000xf32, #tpu.memory_space<hbm>> -> memref<100000xf32, #tpu.memory_space<hbm>>
    %dma_wait3A_161 = arith.constant 0 : i32
    %dma_wait3A_162 = tpu.memref_slice %dma_wait3A_160[%dma_wait3A_161] : memref<100000xf32, #tpu.memory_space<hbm>> -> memref<100000xf32, #tpu.memory_space<hbm>>
    tpu.wait_indirect_dma semaphore(%arg7 : memref<!tpu.dma_semaphore, #tpu.memory_space<semaphore_mem>>) src(%dma_wait3A_162 : memref<100000xf32, #tpu.memory_space<hbm>>) dst(%dma_wait3A_155 : memref<128xf32, #tpu.memory_space<vmem>>)
    %dma_wait3A_163 = arith.constant 896 : i32
    %dma_wait3A_164 = tpu.memref_slice %arg6[%dma_wait3A_163] : memref<1024xf32, #tpu.memory_space<vmem>> -> memref<128xf32, #tpu.memory_space<vmem>>
    %dma_wait3A_165 = arith.constant 896 : i32
    %dma_wait3A_166 = tpu.memref_slice %arg5[%dma_wait3A_165] : memref<1024xi32, #tpu.memory_space<vmem>> -> memref<128xi32, #tpu.memory_space<vmem>>
    %dma_wait3A_167 = arith.constant 0 : i32
    %dma_wait3A_168 = tpu.memref_slice %arg2[%select_n3A, %dma_wait3A_167] : memref<16x100000xf32, #tpu.memory_space<hbm>> -> memref<1x100000xf32, #tpu.memory_space<hbm>>
    %dma_wait3A_169 = tpu.memref_squeeze %dma_wait3A_168 : memref<1x100000xf32, #tpu.memory_space<hbm>> -> memref<100000xf32, #tpu.memory_space<hbm>>
    %dma_wait3A_170 = arith.constant 0 : i32
    %dma_wait3A_171 = tpu.memref_slice %dma_wait3A_169[%dma_wait3A_170] : memref<100000xf32, #tpu.memory_space<hbm>> -> memref<100000xf32, #tpu.memory_space<hbm>>
    tpu.wait_indirect_dma semaphore(%arg7 : memref<!tpu.dma_semaphore, #tpu.memory_space<semaphore_mem>>) src(%dma_wait3A_171 : memref<100000xf32, #tpu.memory_space<hbm>>) dst(%dma_wait3A_164 : memref<128xf32, #tpu.memory_space<vmem>>)
    "tpu.region"() ({
      %run_scoped3A = tpu.sem_alloc : memref<!tpu.dma_semaphore, #tpu.memory_space<semaphore_mem>>
      %dma_start3A_172 = tpu.memref_slice %arg4[%select_n3A, %mul3A_29] : memref<16x1024xf32, #tpu.memory_space<hbm>> -> memref<1x1024xf32, #tpu.memory_space<hbm>>
      %dma_start3A_173 = tpu.memref_squeeze %dma_start3A_172 : memref<1x1024xf32, #tpu.memory_space<hbm>> -> memref<1024xf32, #tpu.memory_space<hbm>>
      %dma_start3A_174 = tpu.memref_slice %arg4[%select_n3A, %mul3A_29] : memref<16x1024xf32, #tpu.memory_space<hbm>> -> memref<1x1024xf32, #tpu.memory_space<hbm>>
      %dma_start3A_175 = tpu.memref_squeeze %dma_start3A_174 : memref<1x1024xf32, #tpu.memory_space<hbm>> -> memref<1024xf32, #tpu.memory_space<hbm>>
      tpu.enqueue_dma source(%arg6 : memref<1024xf32, #tpu.memory_space<vmem>>) target(%dma_start3A_175 : memref<1024xf32, #tpu.memory_space<hbm>>) target_semaphore(%run_scoped3A : memref<!tpu.dma_semaphore, #tpu.memory_space<semaphore_mem>>)
      %dma_wait3A_176 = tpu.memref_slice %arg4[%select_n3A, %mul3A_29] : memref<16x1024xf32, #tpu.memory_space<hbm>> -> memref<1x1024xf32, #tpu.memory_space<hbm>>
      %dma_wait3A_177 = tpu.memref_squeeze %dma_wait3A_176 : memref<1x1024xf32, #tpu.memory_space<hbm>> -> memref<1024xf32, #tpu.memory_space<hbm>>
      %dma_wait3A_178 = tpu.memref_slice %arg4[%select_n3A, %mul3A_29] : memref<16x1024xf32, #tpu.memory_space<hbm>> -> memref<1x1024xf32, #tpu.memory_space<hbm>>
      %dma_wait3A_179 = tpu.memref_squeeze %dma_wait3A_178 : memref<1x1024xf32, #tpu.memory_space<hbm>> -> memref<1024xf32, #tpu.memory_space<hbm>>
      tpu.wait_dma2 semaphore(%run_scoped3A : memref<!tpu.dma_semaphore, #tpu.memory_space<semaphore_mem>>) src(%arg6 : memref<1024xf32, #tpu.memory_space<vmem>>) dst(%dma_wait3A_179 : memref<1024xf32, #tpu.memory_space<hbm>>)
      tpu.yield
    }) : () -> ()
    return
  }
}

module attributes {stable_mosaic.version = 14 : i64} {
  func.func @body(%arg0: i32, %arg1: memref<16x2560xf32, #tpu.memory_space<vmem>>, %arg2: memref<1x2560xf32, #tpu.memory_space<vmem>>, %arg3: memref<16x1024xf32, #tpu.memory_space<vmem>>, %arg4: memref<2560x1024xf32, #tpu.memory_space<vmem>>) attributes {dimension_semantics = [#tpu.dimension_semantics<arbitrary>], iteration_bounds = array<i64: 40>, scalar_prefetch = 0 : i64, scratch_operands = 0 : i64, tpu.core_type = #tpu.core_type<tc>, window_params = [{transform_indices = @transform_0, window_bounds = array<i64: 16, 2560>}, {transform_indices = @transform_1, window_bounds = array<i64: 1, 2560>}, {pipeline_mode = #tpu.pipeline_mode<synchronous>, transform_indices = @transform_2, window_bounds = array<i64: 16, 1024>}, {transform_indices = @transform_3, window_bounds = array<i64: 2560, 1024>}]} {
    %get3A = arith.constant 0 : index
    %get3A_0 = arith.constant 0 : index
    %get3A_1 = vector.load %arg1[%get3A, %get3A_0] : memref<16x2560xf32, #tpu.memory_space<vmem>>, vector<16x2560xf32>
    %get3A_2 = arith.constant 0 : index
    %get3A_3 = arith.constant 0 : index
    %get3A_4 = vector.load %arg2[%get3A_2, %get3A_3] : memref<1x2560xf32, #tpu.memory_space<vmem>>, vector<1x2560xf32>
    %concatenate3A = tpu.concatenate %get3A_1, %get3A_4 in 0 : vector<16x2560xf32>, vector<1x2560xf32> -> vector<17x2560xf32>
    %get3A_5 = arith.constant 0 : index
    %get3A_6 = arith.constant 0 : index
    %get3A_7 = vector.load %arg3[%get3A_5, %get3A_6] : memref<16x1024xf32, #tpu.memory_space<vmem>>, vector<16x1024xf32>
    %broadcast_in_dim3A = arith.constant 1.000000e+00 : f32
    %broadcast_in_dim3A_8 = vector.broadcast %broadcast_in_dim3A : f32 to vector<1x1024xf32>
    %concatenate3A_9 = tpu.concatenate %get3A_7, %broadcast_in_dim3A_8 in 0 : vector<16x1024xf32>, vector<1x1024xf32> -> vector<17x1024xf32>
    %dot_general3A = arith.constant dense<0.000000e+00> : vector<2560x1024xf32>
    %dot_general3A_10 = tpu.matmul %concatenate3A, %concatenate3A_9, %dot_general3A {dimension_numbers = #tpu.dot_dimension_numbers<[0], [0], [1], [1], [0, 1, 1, 1], [], []>, transpose_lhs_hint = false} : vector<17x2560xf32>, vector<17x1024xf32>, vector<2560x1024xf32> -> vector<2560x1024xf32>
    %swap3A = arith.constant 0 : index
    %swap3A_11 = arith.constant 0 : index
    %swap3A_12 = vector.load %arg4[%swap3A, %swap3A_11] : memref<2560x1024xf32, #tpu.memory_space<vmem>>, vector<2560x1024xf32>
    tpu.vector_store %arg4[%swap3A, %swap3A_11], %dot_general3A_10 {strides = array<i32>} : memref<2560x1024xf32, #tpu.memory_space<vmem>>, vector<2560x1024xf32>,
    return
  }
  func.func @transform_0(%arg0: i32) -> (i32, i32) {
    %c0_i32 = arith.constant 0 : i32
    %c0_i32_0 = arith.constant 0 : i32
    return %c0_i32, %arg0 : i32, i32
  }
  func.func @transform_1(%arg0: i32) -> (i32, i32) {
    %c0_i32 = arith.constant 0 : i32
    %c0_i32_0 = arith.constant 0 : i32
    return %c0_i32, %arg0 : i32, i32
  }
  func.func @transform_2(%arg0: i32) -> (i32, i32) {
    %c0_i32 = arith.constant 0 : i32
    %c0_i32_0 = arith.constant 0 : i32
    %c0_i32_1 = arith.constant 0 : i32
    return %c0_i32, %c0_i32_0 : i32, i32
  }
  func.func @transform_3(%arg0: i32) -> (i32, i32) {
    %c0_i32 = arith.constant 0 : i32
    %c0_i32_0 = arith.constant 0 : i32
    return %arg0, %c0_i32 : i32, i32
  }
}

</mosaic_0001>

<sc_bundles>
// kernel: kernel.4.cloned.1.call-start
scs
__scs_entry_jumppad:
0x0: {  	(pc) =	sbr.rel $0x88, $3  }
0x1: {  	(tag) =	ssettag $0x0;
	lr =	simm.s32 $0x1  }
0x2: {  	[smem:$0x3F9D] =	sst lr;
	_ =	strace $0xD0000000  }
0x3: {  	_ = 	snop  }
0x4: {  	_ = 	snop  }
0x5: {  	_ = 	snop  }
0x6: {  	_ = 	snop  }
0x7: {  	_ = 	snop  }
__scs_overlays_trampoline_lowered:
0x8: {  	[smem:$0x3FAC] =	sst s0  }
0x9: {  	[smem:$0x3FAD] =	sst s1  }
0xa: {  	[smem:$0x3FAE] =	sst s2  }
0xb: {  	[smem:$0x3FAF] =	sst s3  }
0xc: {  	[smem:$0x3FB0] =	sst s4  }
0xd: {  	[smem:$0x3FB1] =	sst s5  }
0xe: {  	[smem:$0x3FB2] =	sst s6  }
0xf: {  	[smem:$0x3FB3] =	sst s7  }
0x10: {  	[smem:$0x3FB4] =	sst s8  }
0x11: {  	[smem:$0x3FB5] =	sst s9;
	s0 =	simm.s32 @!p0 $0x0  }
0x12: {  	s1 =	sld [smem:$0x3F9B];
	s0 =	simm.s32 @p0 $0x1  }
0x13: {  	[smem:$0x3FB6] =	sst s0;
	s0 =	simm.s32 @!p1 $0x0  }
0x14: {  	s2 =	sld [smem:$0x3F9A];
	s0 =	simm.s32 @p1 $0x1  }
0x15: {  	[smem:$0x3FB7] =	sst s0;
	s0 =	simm.s32 @!p2 $0x0  }
0x16: {  	s3 =	sld [smem:$0x3FDB];
	s0 =	simm.s32 @p2 $0x1  }
0x17: {  	s4 =	simm.s32 $0x1BF5;
	[smem:$0x3FB9] =	sst s0  }
0x18: {  	s0 =	sld [smem:$0x3F9C];
	_ =	swait.ge [sflag:s4], $0x0  }
0x19: {  	s7 =	sld [smem:$0x3F9D]  }
0x1a: {  	s8 =	sadd.s32 $0xFFFFE003, lr  }
0x1b: {  	s9 =	sadd.s32 $0xFFFFFEF7, lr;
	s5 =	simm.s32 $0xFFFFFFFF;
	p2 =	slt.u32 s8, $0xFFFFF086  }
0x1c: {  	p1 =	slt.u32 s9, $0xF7A;
	s5 =	simm.s32 @!p2 $0x0  }
0x1d: {  	s5 =	simm.s32 @p1 $0x1;
	p0 =	seq.s32 s7, s2  }
0x1e: {  	s7 =	smul.u32 @!p0 $0xF7A, s2;
	p2 =	seq.s32 @!p0 s5, $0x0  }
0x1f: {  	s9 =	smul.u32 $0xF7A, s1;
	s8 =	simm.s32 @!p0 $0x1BF5;
	p2 =	por !p2, p0  }
0x20: {  	[sflag:s8] =	ssyncset.s32 @!p0 $0xFFFFF086;
	s6 =	sadd.s32 @!p0 s3, s7;
	s7 =	simm.s32 @!p0 $0x108  }
0x21: {  	s3 =	sadd.s32 s3, s9;
	s6 =	sadd.s32 @!p0 $0x88, s6;
	s7 =	simm.s32 @p2 $0x1082  }
0x22: {  	[simem:s7], [sflag:s8] =	dma.local @!p0 [hbm:s6], $0xF7A  }
0x23: {  	s9 =	sor.u32 $0xD0000000, s2;
	s6 =	simm.s32 $0x108;
	_ =	swait.ge @!p0 [sflag:s8], $0x0  }
0x24: {  	s3 =	sadd.s32 $0x88, s3;
	s6 =	simm.s32 @!p1 $0x1082;
	[sflag:s4] =	ssyncset.s32 $0xFFFFF086  }
0x25: {  	[simem:s6], [sflag:s4] =	dma.local [hbm:s3], $0xF7A  }
0x26: {  	[smem:$0x3F9D] =	sst s1;
	(tag) =	ssettag s2;
	_ =	strace s9  }
0x27: {  	s1 =	sld [smem:$0x3FAD]  }
0x28: {  	s2 =	sld [smem:$0x3FAE]  }
0x29: {  	s4 =	sld [smem:$0x3FB0]  }
0x2a: {  	p0 =	seq.s32 s5, $0x0;
	s5 =	sld [smem:$0x3FB1]  }
0x2b: {  	s6 =	sld [smem:$0x3FB2]  }
0x2c: {  	s7 =	sld [smem:$0x3FB3]  }
0x2d: {  	s3 =	simm.s32 $0x108;
	s8 =	sld [smem:$0x3FB4]  }
0x2e: {  	s3 =	simm.s32 @!p0 $0x1082;
	s9 =	sld [smem:$0x3FB5]  }
0x2f: {  	lr =	sadd.s32 s0, s3;
	s0 =	sld [smem:$0x3FAC]  }
0x30: {  	s3 =	sld [smem:$0x3FAF]  }
0x31: {  	[smem:$0x3FB8] =	sst s10  }
0x32: {  	s10 =	sld [smem:$0x3FB6];
	_ =	sdelay $0x3  }
0x33: {  	p0 =	seq.s32 s10, $0x1;
	s10 =	sld [smem:$0x3FB8];
	_ =	sdelay $0x3  }
0x34: {  	[smem:$0x3FB8] =	sst s10  }
0x35: {  	s10 =	sld [smem:$0x3FB7];
	_ =	sdelay $0x3  }
0x36: {  	p1 =	seq.s32 s10, $0x1;
	s10 =	sld [smem:$0x3FB8];
	_ =	sdelay $0x3  }
0x37: {  	[smem:$0x3FB8] =	sst s10  }
0x38: {  	s10 =	sld [smem:$0x3FB9]  }
0x39: {  	_ = 	snop;
	(pc) =	sbr.ind lr, $3  }
0x3a: {  	_ = 	snop  }
0x3b: {  	_ = 	snop  }
0x3c: {  	p2 =	seq.s32 s10, $0x1;
	s10 =	sld [smem:$0x3FB8]  }
0x3d: {  	_ =	shalt  }
0x3e: {  	_ =	shalt  }
0x3f: {  	_ =	shalt  }
0x40: {  	_ =	shalt  }
0x41: {  	_ =	shalt  }
0x42: {  	_ =	shalt  }
0x43: {  	_ =	shalt  }
0x44: {  	_ =	shalt  }
0x45: {  	_ =	shalt  }
0x46: {  	_ =	shalt  }
0x47: {  	_ =	shalt  }
0x48: {  	_ =	shalt  }
0x49: {  	_ =	shalt  }
0x4a: {  	_ =	shalt  }
0x4b: {  	_ =	shalt  }
0x4c: {  	_ =	shalt  }
0x4d: {  	_ =	shalt  }
0x4e: {  	_ =	shalt  }
0x4f: {  	_ =	shalt  }
0x50: {  	_ =	shalt  }
0x51: {  	_ =	shalt  }
0x52: {  	_ =	shalt  }
0x53: {  	_ =	shalt  }
0x54: {  	_ =	shalt  }
0x55: {  	_ =	shalt  }
0x56: {  	_ =	shalt  }
0x57: {  	_ =	shalt  }
0x58: {  	_ =	shalt  }
0x59: {  	_ =	shalt  }
0x5a: {  	_ =	shalt  }
0x5b: {  	_ =	shalt  }
0x5c: {  	_ =	shalt  }
0x5d: {  	_ =	shalt  }
0x5e: {  	_ =	shalt  }
0x5f: {  	_ =	shalt  }
0x60: {  	_ =	shalt  }
0x61: {  	_ =	shalt  }
0x62: {  	_ =	shalt  }
0x63: {  	_ =	shalt  }
0x64: {  	_ =	shalt  }
0x65: {  	_ =	shalt  }
0x66: {  	_ =	shalt  }
0x67: {  	_ =	shalt  }
0x68: {  	_ =	shalt  }
0x69: {  	_ =	shalt  }
0x6a: {  	_ =	shalt  }
0x6b: {  	_ =	shalt  }
0x6c: {  	_ =	shalt  }
0x6d: {  	_ =	shalt  }
0x6e: {  	_ =	shalt  }
0x6f: {  	_ =	shalt  }
0x70: {  	_ =	shalt  }
0x71: {  	_ =	shalt  }
0x72: {  	_ =	shalt  }
0x73: {  	_ =	shalt  }
0x74: {  	_ =	shalt  }
0x75: {  	_ =	shalt  }
0x76: {  	_ =	shalt  }
0x77: {  	_ =	shalt  }
0x78: {  	_ =	shalt  }
0x79: {  	_ =	shalt  }
0x7a: {  	_ =	shalt  }
0x7b: {  	_ =	shalt  }
0x7c: {  	_ =	shalt  }
0x7d: {  	_ =	shalt  }
0x7e: {  	_ =	shalt  }
0x7f: {  	_ =	shalt  }
0x80: {  	_ =	shalt  }
0x81: {  	_ =	shalt  }
0x82: {  	_ =	shalt  }
0x83: {  	_ =	shalt  }
0x84: {  	_ =	shalt  }
0x85: {  	_ =	shalt  }
0x86: {  	_ =	shalt  }
0x87: {  	_ =	shalt  }
.Lfunc_end0:
.L_simem_size_0:
called_computation_lowered:
.L_overlay_start_0:
0x88: {  	s0 =	sld [smem:$0x3FD9]  }
0x89: {  	s1 =	sld [smem:$0x3FFE];
	_ =	sdelay $0x3  }
0x8a: {  	s0 =	sadd.s32 s1, s0  }
0x8b: {  	[smem:$0x3FC4] =	sst s0  }
0x8c: {  	_ = 	snop  }
0x8d: {  	s0 =	sld [smem:$0x3FC9]  }
0x8e: {  	s16 =	sld [smem:$0x3FD0];
	(tm) =	ssettm $0x1  }
0x8f: {  	s2 =	sld [smem:$0x3FFB];
	_ =	sdelay $0x3  }
0x90: {  	_ =	strace s2  }
0x91: {  	s2 =	sld [smem:$0x3FFC];
	_ =	sdelay $0x3  }
0x92: {  	_ =	strace s2  }
0x93: {  	s2 =	sld [smem:$0x3FFD];
	_ =	sdelay $0x3  }
0x94: {  	_ =	strace s2  }
0x95: {  	_ =	strace $0x8FFFFFFF  }
0x96: {  	s17 =	sld [smem:$0x3FDB];
	_ =	sdelay $0x1  }
0x97: {  	s3 =	simm.s32 $_scs_section_size  }
0x98: {  	s4 =	simm.s32 $_size__tile_overlayer_lowered;
	s5 =	simm.s32 $_tile_overlayer_lowered  }
0x99: {  	s20 =	simm.s32 $0x1BFF;
	s19 =	sshll.u32 s5, $0x1;
	s2 =	sadd.s32 s3, s17  }
0x9a: {  	s6 =	simm.s32 $0x0;
	s18 =	sshll.u32 s4, $0x1;
	s4 =	sadd.s32 s19, s2  }
0x9b: {  	[timem:s6], [sflag:s20] =	dma.local [hbm:s4], s18  }
0x9c: {  	_ =	swait.ge [sflag:s20], s18  }
0x9d: {  	s3 =	ssub.s32 $0x0, s18;
	[sflag:s20] =	ssyncset.done $0x0  }
0x9e: {  	[sflag:s20] =	ssyncadd.s32 s3;
	_ =	sdelay $0x1  }
0x9f: {  	s21 =	simm.s32 $0x1B8B  }
0xa0: {  	_ =	swait.ge [sflag:s21], $0x1  }
0xa1: {  	[sflag:s21] =	ssyncset.done $0x0  }
0xa2: {  	s23 =	simm.s32 $0x1B8E;
	s22 =	sld [smem:$0x3FFE];
	[sflag:s21] =	ssyncadd.s32 $0xFFFFFFFF  }
0xa3: {  	s24 =	simm.s32 $execute0_lowered;
	[smem:$0x3FD2] =	sst s23  }
0xa4: {  	s4 =	sshll.u32 s24, $0x1;
	_ =	strace $0x80000046;
	[dreg:$0x1] =	wrdreg $0xFFFFFFFF  }
0xa5: {  	s25 =	simm.s32 $_size_execute0_lowered;
	s2 =	sadd.s32 s2, s4;
	[dreg:$0x0] =	wrdreg $0x0  }
0xa6: {  	s4 =	sshll.u32 s25, $0x1;
	[dreg:$0x2] =	wrdreg s2  }
0xa7: {  	[dreg:$0x3] =	wrdreg s4  }
0xa8: {  	[dreg:$0x4] =	wrdreg $0xC0  }
0xa9: {  	_ =	task [dreg:s6], $0x5FFFF  }
0xaa: {  	[dreg:$0x1] =	wrdreg $0xFFFFFFFF  }
0xab: {  	[dreg:$0x0] =	wrdreg $0x60  }
0xac: {  	[dreg:$0x2] =	wrdreg s16  }
0xad: {  	[dreg:$0x3] =	wrdreg s0  }
0xae: {  	[dreg:$0x4] =	wrdreg s22  }
0xaf: {  	[dreg:$0x5] =	wrdreg $0x9  }
0xb0: {  	_ =	task.clear_ibuf [dreg:s6], $0x6FFFF;
	_ =	strace $0x90000046  }
0xb1: {  	s26 =	simm.s32 $0x9;
	_ =	strace $0x80000048  }
0xb2: {  	_ =	swait.ge [sflag:s26], $0x1  }
0xb3: {  	[sflag:s26] =	ssyncadd.s32 $0xFFFFFFFF  }
0xb4: {  	_ =	strace $0x90000048  }
0xb5: {  	_ =	sfence  }
0xb6: {  	s28 =	sld [smem:$0x0];
	_ =	sdelay $0x1  }
0xb7: {  	s29 =	srdreg.scid  }
0xb8: {  	s30 =	sshll.u32 s29, $0xD;
	s31 =	sshrl.u32 s29, $0x2  }
0xb9: {  	s1 =	sand.u32 $0x1, s29;
	s2 =	sand.u32 $0x4000, s30;
	s0 =	sadd.s32 s31, s28  }
0xba: {  	s1 =	sor.u32 s2, s1;
	s0 =	sshll.u32 s0, $0x11  }
0xbb: {  	s0 =	sor.u32 s0, s1  }
0xbc: {  	s0 =	sadd.s32 $0x8F2B, s0  }
0xbd: {  	[sflag:s0] =	ssyncadd.remote.s32 $0x1  }
0xbe: {  	_ =	sfence.sel $0xFFFF  }
0xbf: {  	[dreg:$0x0] =	wrdreg $0xFFFFFFFF;
	(pc) =	sbr.abs _section_cstart, $3  }
0xc0: {  	[dreg:$0x1] =	wrdreg $0xFFFFFFFF  }
0xc1: {  	_ =	task.clear_ibuf [dreg:s6], $0x2FFFF;
	_ =	strace $0x9FFFFFFF  }
0xc2: {  	(tm) =	ssettm $0x7FFFFFFF  }
0xc3: {  	_ =	shalt  }
tec
execute0_lowered:
.L_overlay_start_1:
0x0: {  	(tag) =	ssettag $0x1  }
0x1: {  	s2 =	rddreg [dreg:$0x0]  }
0x2: {  	s3 =	rddreg [dreg:$0x1]  }
0x3: {  	s4 =	rddreg [dreg:$0x2]  }
0x4: {  	s0 =	rddreg [dreg:$0x3];
	s5 =	simm.s32 $0x0  }
0x5: {  	[smem:$0x7FF] =	sst s5  }
0x6: {  	s1 =	stileid.u32;
	s6 =	simm.s32 $0x2;
	_ =	strace $0x80000047  }
0x7: {  	[tilespmem:s5], [sflag:$0x2] =	stream.linear.gather [hbm4b:s3+s5], $0x400, $0x38;
	[tilespmem:$0x800] =	vst v63  }
0x8: {  	s16 =	smul.u32 $0x30D4, s1;
	_ =	swait.ge [sflag:s6], $0x400  }
0x9: {  	s17 =	simm.s32 $0x80;
	[sflag:s6] =	ssyncset.done $0x0  }
0xa: {  	s7 =	simm.s32 $0x400;
	s2 =	sadd.s32 s2, s16;
	[sflag:s6] =	ssyncadd.s32 $0xFFFFFC00  }
0xb: {  	[tilespmem:s7], [sflag:$0x1] =	stream.indirect.gather [hbm4b:s2+s17], $0x1, s5, s17, $0xb8;
	[tilespmem:$0x800] =	vst v63  }
0xc: {  	s8 =	simm.s32 $0x480  }
0xd: {  	[tilespmem:s8], [sflag:$0x1] =	stream.indirect.gather [hbm4b:s2+s17], $0x1, s17, s17, $0xb8;
	[tilespmem:$0x800] =	vst v63  }
0xe: {  	s18 =	simm.s32 $0x100;
	s9 =	simm.s32 $0x500  }
0xf: {  	[tilespmem:s9], [sflag:$0x1] =	stream.indirect.gather [hbm4b:s2+s17], $0x1, s18, s17, $0xb8;
	[tilespmem:$0x800] =	vst v63  }
0x10: {  	s19 =	simm.s32 $0x180;
	s20 =	simm.s32 $0x580  }
0x11: {  	[tilespmem:s20], [sflag:$0x1] =	stream.indirect.gather [hbm4b:s2+s17], $0x1, s19, s17, $0xb8;
	[tilespmem:$0x800] =	vst v63  }
0x12: {  	s21 =	simm.s32 $0x200;
	s22 =	simm.s32 $0x600  }
0x13: {  	[tilespmem:s22], [sflag:$0x1] =	stream.indirect.gather [hbm4b:s2+s17], $0x1, s21, s17, $0xb8;
	[tilespmem:$0x800] =	vst v63  }
0x14: {  	s23 =	simm.s32 $0x280;
	s24 =	simm.s32 $0x680  }
0x15: {  	[tilespmem:s24], [sflag:$0x1] =	stream.indirect.gather [hbm4b:s2+s17], $0x1, s23, s17, $0xb8;
	[tilespmem:$0x800] =	vst v63  }
0x16: {  	s25 =	simm.s32 $0x300;
	s26 =	simm.s32 $0x700  }
0x17: {  	[tilespmem:s26], [sflag:$0x1] =	stream.indirect.gather [hbm4b:s2+s17], $0x1, s25, s17, $0xb8;
	[tilespmem:$0x800] =	vst v63  }
0x18: {  	s28 =	simm.s32 $0x380;
	s29 =	simm.s32 $0x780;
	s30 =	simm.s32 $0x1  }
0x19: {  	[tilespmem:s29], [sflag:$0x1] =	stream.indirect.gather [hbm4b:s2+s17], $0x1, s28, s17, $0xb8;
	[tilespmem:$0x800] =	vst v63  }
0x1a: {  	_ =	swait.ge [sflag:s30], $0x80  }
0x1b: {  	[sflag:s30] =	ssyncset.done $0x0  }
0x1c: {  	[sflag:s30] =	ssyncadd.s32 $0xFFFFFF80  }
0x1d: {  	_ =	swait.ge [sflag:s30], $0x80  }
0x1e: {  	[sflag:s30] =	ssyncset.done $0x0  }
0x1f: {  	[sflag:s30] =	ssyncadd.s32 $0xFFFFFF80  }
0x20: {  	_ =	swait.ge [sflag:s30], $0x80  }
0x21: {  	[sflag:s30] =	ssyncset.done $0x0  }
0x22: {  	[sflag:s30] =	ssyncadd.s32 $0xFFFFFF80  }
0x23: {  	_ =	swait.ge [sflag:s30], $0x80  }
0x24: {  	[sflag:s30] =	ssyncset.done $0x0  }
0x25: {  	[sflag:s30] =	ssyncadd.s32 $0xFFFFFF80  }
0x26: {  	_ =	swait.ge [sflag:s30], $0x80  }
0x27: {  	[sflag:s30] =	ssyncset.done $0x0  }
0x28: {  	[sflag:s30] =	ssyncadd.s32 $0xFFFFFF80  }
0x29: {  	_ =	swait.ge [sflag:s30], $0x80  }
0x2a: {  	[sflag:s30] =	ssyncset.done $0x0  }
0x2b: {  	[sflag:s30] =	ssyncadd.s32 $0xFFFFFF80  }
0x2c: {  	_ =	swait.ge [sflag:s30], $0x80  }
0x2d: {  	[sflag:s30] =	ssyncset.done $0x0  }
0x2e: {  	[sflag:s30] =	ssyncadd.s32 $0xFFFFFF80  }
0x2f: {  	s31 =	sshll.u32 s1, $0x7;
	_ =	swait.ge [sflag:s30], $0x80  }
0x30: {  	s3 =	sadd.s32 s31, s4;
	[sflag:s30] =	ssyncset.done $0x0  }
0x31: {  	s3 =	sadd.s32 $0xE00, s3;
	[sflag:s30] =	ssyncadd.s32 $0xFFFFFF80  }
0x32: {  	[hbm4b:s3+s5] =	stream.linear.scatter [tilespmem:s7], [sflag:$0x2], $0x400, $0x38;
	[tilespmem:$0x800] =	vst v63  }
0x33: {  	_ =	swait.ge [sflag:s6], $0x400  }
0x34: {  	[sflag:s6] =	ssyncset.done $0x0  }
0x35: {  	[sflag:s6] =	ssyncadd.s32 $0xFFFFFC00  }
0x36: {  	_ =	sfence.sel $0x180000  }
0x37: {  	[bflag:$0x0] =	sbarrier.arrive $0xFFFF  }
0x38: {  	p0 =	sne.s32 s1, $0x0;
	_ =	strace $0x90000047  }
0x39: {  	s0 =	sadd.s32 @!p0 $0x100000, s0;
	[bflag:$0x2] =	sbarrier.arrive $0xFFFF  }
0x3a: {  	[sflag:s0] =	ssyncadd.tile.s32 @!p0 $0x1;
	_ =	shalt  }
.Lfunc_end2:
_tile_overlayer_lowered:
.L_overlay_start_2:
0x3b: {  	(tag) =	ssettag $0x2  }
0x3c: {  	s0 =	rddreg [dreg:$0x0];
	s2 =	stileid.u32  }
0x3d: {  	s1 =	rddreg [dreg:$0x1];
	p0 =	sne.s32 s2, $0x0  }
0x3e: {  	s3 =	rddreg [dreg:$0x2];
	[bflag:$0x3] =	sbarrier.arrive $0xFFFF;
	s2 =	simm.s32 @!p0 $0x1C02  }
0x3f: {  	[timem:s3], [sflag:s2] =	dma.local @!p0 [hbm:s0], s1  }
0x40: {  	s0 =	simm.s32 @!p0 $0x2  }
0x41: {  	_ =	swait.ge @!p0 [sflag:s0], s1  }
0x42: {  	s1 =	ssub.s32 @!p0 $0x0, s1;
	[sflag:s0] =	ssyncset.done @!p0 $0x0  }
0x43: {  	[sflag:s0] =	ssyncadd.s32 @!p0 s1  }
0x44: {  	[bflag:$0x3] =	sbarrier.arrive $0xFFFF  }
0x45: {  	_ =	shalt  }

</sc_bundles>
